<compile_context>
chip_gen: v7x
topology: tpu7x:2x2x1
jax: 0.10.2.dev20260603
libtpu: 0.0.44.dev20260713+nightly
codegen_flags: <defaults>
</compile_context>

<pallas_src>
import functools

import jax
import jax.numpy as jnp
from jax import lax
from jax.experimental import pallas as pl
from jax.experimental.pallas import tpu as pltpu
from jax.experimental.pallas import tpu_sc as plsc

EMB = 128
VP = 1024
TP = 1008
NC, NS, L = 2, 16, 16
NW = NC * NS
NSEG = 2
KBLK = 8
TBLK = 4


def _tc_body(a_full, a_blk, tgt_ref, ctxT_ref, gram_ref, idx_ref):
    k = pl.program_id(0)
    g = lax.dot_general(
        a_full[...], a_blk[...], (((1,), (1,)), ((), ())),
        preferred_element_type=jnp.float32)
    gram_ref[...] = g.reshape(1, TP, VP // KBLK)

    @pl.when(k == 0)
    def _():
        ctx = ctxT_ref[...]
        idx_ref[pl.ds(0, ctxT_ref.shape[0]), :] = (
            (ctx >> 7) * (TP * (VP // KBLK))
            + tgt_ref[...] * (VP // KBLK) + (ctx & (VP // KBLK - 1)))


def _tc_call(emb, target_row, contextT):
    C, B = contextT.shape
    CP = (C + 7) // 8 * 8
    return pl.pallas_call(
        _tc_body,
        grid=(KBLK,),
        in_specs=[
            pl.BlockSpec((TP, EMB), lambda k: (0, 0)),
            pl.BlockSpec((VP // KBLK, EMB), lambda k: (k, 0)),
            pl.BlockSpec((1, B), lambda k: (0, 0)),
            pl.BlockSpec((C, B), lambda k: (0, 0)),
        ],
        out_specs=[
            pl.BlockSpec((1, TP, VP // KBLK), lambda k: (k, 0, 0)),
            pl.BlockSpec((CP, B), lambda k: (0, 0)),
        ],
        out_shape=(jax.ShapeDtypeStruct((KBLK, TP, VP // KBLK), jnp.float32),
                   jax.ShapeDtypeStruct((CP, B), jnp.int32)),
    )(emb, emb, target_row, contextT)


def _make_sc_gather(B, C):
    CP = (C + 7) // 8 * 8
    A_FULL = (C // 8) * 8 * B
    A_W = A_FULL // NW
    BL = (C % 8) * 128
    NB_W = (B // 128) // NW
    PAIRS = A_W + NB_W * BL
    assert PAIRS * NW == B * C and A_W % NSEG == 0
    SEG_A = A_W // NSEG

    mesh = plsc.VectorSubcoreMesh(
        core_axis_name="c", subcore_axis_name="s",
        num_cores=NC, num_subcores=NS)

    @functools.partial(
        pl.kernel,
        out_type=jax.ShapeDtypeStruct((CP * B,), jnp.float32),
        mesh=mesh,
        scratch_types=[
            pltpu.VMEM((PAIRS,), jnp.int32),
            pltpu.VMEM((PAIRS,), jnp.float32),
            pltpu.SemaphoreType.DMA,
            pltpu.SemaphoreType.DMA,
            pltpu.SemaphoreType.DMA,
        ],
    )
    def sc_gather(gram_hbm, idx_hbm, out_hbm, idx_v, rows_v,
                  sem_i, sem_g, sem_o):
        wid = lax.axis_index("s") * NC + lax.axis_index("c")
        base_a = wid * A_W
        segs = [(base_a + s * SEG_A, s * SEG_A, SEG_A) for s in range(NSEG)]
        segs += [(A_FULL + (wid * NB_W + j) * (8 * 128), A_W + j * BL, BL)
                 for j in range(NB_W)]
        for ho, lo, sz in segs:
            pltpu.async_copy(idx_hbm.at[pl.ds(ho, sz)],
                             idx_v.at[pl.ds(lo, sz)], sem_i)
        for ho, lo, sz in segs:
            pltpu.make_async_copy(idx_hbm.at[pl.ds(ho, sz)],
                                  idx_v.at[pl.ds(lo, sz)], sem_i).wait()
            pltpu.async_copy(gram_hbm.at[idx_v.at[pl.ds(lo, sz)]],
                             rows_v.at[pl.ds(lo, sz)], sem_g)
        for ho, lo, sz in segs:
            pltpu.make_async_copy(gram_hbm.at[idx_v.at[pl.ds(lo, sz)]],
                                  rows_v.at[pl.ds(lo, sz)], sem_g).wait()
            pltpu.async_copy(rows_v.at[pl.ds(lo, sz)],
                             out_hbm.at[pl.ds(ho, sz)], sem_o)
        for ho, lo, sz in segs:
            pltpu.make_async_copy(rows_v.at[pl.ds(lo, sz)],
                                  out_hbm.at[pl.ds(ho, sz)], sem_o).wait()

    return sc_gather


def kernel(target, context, embd):
    B, = target.shape
    C = context.shape[1]
    CP = (C + 7) // 8 * 8
    TR, BT = CP // 8, B // 128
    g, idxT = _tc_call(embd, target.reshape(1, B), context.T)
    idx_p = idxT.reshape(TR, 8, BT, 128).transpose(0, 2, 1, 3).reshape(CP * B)
    out = _make_sc_gather(B, C)(g.reshape(KBLK * TP * (VP // KBLK)), idx_p)
    return out.reshape(TR, BT, 8, 128).transpose(1, 3, 0, 2).reshape(
        B, CP)[:, :C]

# --- scband reference (transcript-rebuilt; emitter-appended) ---
"""Pipeline reference for scband-skip-gram-negative-sampling-59940563583485 (READ-ONLY COPY).

The authoritative reference and input builder live on the scoring server;
editing this copy changes nothing except your own understanding.
"""

import jax, jax.numpy as jnp
import numpy as np

V = 1000
EMB = 128
B = 16384
NCTX = 20
IDX_MAX = 950

def setup_inputs(seed: int = 0):
    key = jax.random.key(seed)
    k1, k2, k3 = jax.random.split(key, 3)
    target = jax.random.randint(k1, (B,), 0, IDX_MAX, dtype=jnp.int32)
    context = jax.random.randint(k2, (B, NCTX), 0, IDX_MAX, dtype=jnp.int32)
    embd = jax.random.normal(k3, (V + 1, EMB), dtype=jnp.float32)
    return {"target": target, "context": context, "embd": embd}

def reference(target, context, embd):
    # target_emb = self.embd(target)  -> [B, E]
    target_emb = jnp.take(embd, target, axis=0)
    # context_emb = self.embd(context) -> [B, C, E]
    context_emb = jnp.take(embd, context, axis=0)
    # bmm(target[B,1,E], context.T[B,E,C]) -> [B, C]
    dots = jnp.einsum('be,bce->bc', target_emb, context_emb)
    return dots

if __name__ == "__main__":
    import jax
    _d = setup_inputs()
    print(jax.jit(kernel)(*tuple(_d.values())))

</pallas_src>

<mosaic_0001>
#map = affine_map<(d0, d1) -> (0)>
module attributes {stable_mosaic.version = 14 : i64} {
  func.func @sc_gather(%arg0: i32, %arg1: i32, %arg2: memref<1032192xf32, #tpu.memory_space<hbm>>, %arg3: memref<393216xi32, #tpu.memory_space<hbm>>, %arg4: memref<393216xf32, #tpu.memory_space<hbm>>, %arg5: memref<10240xi32, #tpu.memory_space<vmem>>, %arg6: memref<10240xf32, #tpu.memory_space<vmem>>, %arg7: memref<!tpu.dma_semaphore, #tpu.memory_space<semaphore_mem>>, %arg8: memref<!tpu.dma_semaphore, #tpu.memory_space<semaphore_mem>>, %arg9: memref<!tpu.dma_semaphore, #tpu.memory_space<semaphore_mem>>) attributes {dimension_semantics = [#tpu.dimension_semantics<core_parallel>, #tpu.dimension_semantics<subcore_parallel>], iteration_bounds = array<i64: 2, 16>, scalar_prefetch = 0 : i64, scratch_operands = 5 : i64, tpu.core_type = #tpu.core_type<sc_vector_subcore>, window_params = [{transform_indices = #map}, {transform_indices = #map}, {transform_indices = #map}]} {
    %mul3A = arith.constant 2 : i32
    %mul3A_0 = arith.muli %arg1, %mul3A : i32
    %add3A = arith.addi %mul3A_0, %arg0 : i32
    %mul3A_1 = arith.constant 8192 : i32
    %mul3A_2 = arith.muli %add3A, %mul3A_1 : i32
    %add3A_3 = arith.constant 0 : i32
    %add3A_4 = arith.addi %mul3A_2, %add3A_3 : i32
    %add3A_5 = arith.constant 4096 : i32
    %add3A_6 = arith.addi %mul3A_2, %add3A_5 : i32
    %mul3A_7 = arith.constant 4 : i32
    %mul3A_8 = arith.muli %add3A, %mul3A_7 : i32
    %add3A_9 = arith.constant 0 : i32
    %add3A_10 = arith.addi %mul3A_8, %add3A_9 : i32
    %mul3A_11 = arith.constant 1024 : i32
    %mul3A_12 = arith.muli %add3A_10, %mul3A_11 : i32
    %add3A_13 = arith.constant 262144 : i32
    %add3A_14 = arith.addi %add3A_13, %mul3A_12 : i32
    %mul3A_15 = arith.constant 4 : i32
    %mul3A_16 = arith.muli %add3A, %mul3A_15 : i32
    %add3A_17 = arith.constant 1 : i32
    %add3A_18 = arith.addi %mul3A_16, %add3A_17 : i32
    %mul3A_19 = arith.constant 1024 : i32
    %mul3A_20 = arith.muli %add3A_18, %mul3A_19 : i32
    %add3A_21 = arith.constant 262144 : i32
    %add3A_22 = arith.addi %add3A_21, %mul3A_20 : i32
    %mul3A_23 = arith.constant 4 : i32
    %mul3A_24 = arith.muli %add3A, %mul3A_23 : i32
    %add3A_25 = arith.constant 2 : i32
    %add3A_26 = arith.addi %mul3A_24, %add3A_25 : i32
    %mul3A_27 = arith.constant 1024 : i32
    %mul3A_28 = arith.muli %add3A_26, %mul3A_27 : i32
    %add3A_29 = arith.constant 262144 : i32
    %add3A_30 = arith.addi %add3A_29, %mul3A_28 : i32
    %mul3A_31 = arith.constant 4 : i32
    %mul3A_32 = arith.muli %add3A, %mul3A_31 : i32
    %add3A_33 = arith.constant 3 : i32
    %add3A_34 = arith.addi %mul3A_32, %add3A_33 : i32
    %mul3A_35 = arith.constant 1024 : i32
    %mul3A_36 = arith.muli %add3A_34, %mul3A_35 : i32
    %add3A_37 = arith.constant 262144 : i32
    %add3A_38 = arith.addi %add3A_37, %mul3A_36 : i32
    %dma_start3A = arith.constant 0 : i32
    %dma_start3A_39 = tpu.memref_slice %arg5[%dma_start3A] : memref<10240xi32, #tpu.memory_space<vmem>> -> memref<4096xi32, #tpu.memory_space<vmem>>
    %dma_start3A_40 = tpu.memref_slice %arg3[%add3A_4] : memref<393216xi32, #tpu.memory_space<hbm>> -> memref<4096xi32, #tpu.memory_space<hbm>>
    %dma_start3A_41 = arith.constant 0 : i32
    %dma_start3A_42 = tpu.memref_slice %arg5[%dma_start3A_41] : memref<10240xi32, #tpu.memory_space<vmem>> -> memref<4096xi32, #tpu.memory_space<vmem>>
    %dma_start3A_43 = tpu.memref_slice %arg3[%add3A_4] : memref<393216xi32, #tpu.memory_space<hbm>> -> memref<4096xi32, #tpu.memory_space<hbm>>
    tpu.enqueue_dma source(%dma_start3A_43 : memref<4096xi32, #tpu.memory_space<hbm>>) target(%dma_start3A_42 : memref<4096xi32, #tpu.memory_space<vmem>>) target_semaphore(%arg7 : memref<!tpu.dma_semaphore, #tpu.memory_space<semaphore_mem>>)
    %dma_start3A_44 = arith.constant 4096 : i32
    %dma_start3A_45 = tpu.memref_slice %arg5[%dma_start3A_44] : memref<10240xi32, #tpu.memory_space<vmem>> -> memref<4096xi32, #tpu.memory_space<vmem>>
    %dma_start3A_46 = tpu.memref_slice %arg3[%add3A_6] : memref<393216xi32, #tpu.memory_space<hbm>> -> memref<4096xi32, #tpu.memory_space<hbm>>
    %dma_start3A_47 = arith.constant 4096 : i32
    %dma_start3A_48 = tpu.memref_slice %arg5[%dma_start3A_47] : memref<10240xi32, #tpu.memory_space<vmem>> -> memref<4096xi32, #tpu.memory_space<vmem>>
    %dma_start3A_49 = tpu.memref_slice %arg3[%add3A_6] : memref<393216xi32, #tpu.memory_space<hbm>> -> memref<4096xi32, #tpu.memory_space<hbm>>
    tpu.enqueue_dma source(%dma_start3A_49 : memref<4096xi32, #tpu.memory_space<hbm>>) target(%dma_start3A_48 : memref<4096xi32, #tpu.memory_space<vmem>>) target_semaphore(%arg7 : memref<!tpu.dma_semaphore, #tpu.memory_space<semaphore_mem>>)
    %dma_start3A_50 = arith.constant 8192 : i32
    %dma_start3A_51 = tpu.memref_slice %arg5[%dma_start3A_50] : memref<10240xi32, #tpu.memory_space<vmem>> -> memref<512xi32, #tpu.memory_space<vmem>>
    %dma_start3A_52 = tpu.memref_slice %arg3[%add3A_14] : memref<393216xi32, #tpu.memory_space<hbm>> -> memref<512xi32, #tpu.memory_space<hbm>>
    %dma_start3A_53 = arith.constant 8192 : i32
    %dma_start3A_54 = tpu.memref_slice %arg5[%dma_start3A_53] : memref<10240xi32, #tpu.memory_space<vmem>> -> memref<512xi32, #tpu.memory_space<vmem>>
    %dma_start3A_55 = tpu.memref_slice %arg3[%add3A_14] : memref<393216xi32, #tpu.memory_space<hbm>> -> memref<512xi32, #tpu.memory_space<hbm>>
    tpu.enqueue_dma source(%dma_start3A_55 : memref<512xi32, #tpu.memory_space<hbm>>) target(%dma_start3A_54 : memref<512xi32, #tpu.memory_space<vmem>>) target_semaphore(%arg7 : memref<!tpu.dma_semaphore, #tpu.memory_space<semaphore_mem>>)
    %dma_start3A_56 = arith.constant 8704 : i32
    %dma_start3A_57 = tpu.memref_slice %arg5[%dma_start3A_56] : memref<10240xi32, #tpu.memory_space<vmem>> -> memref<512xi32, #tpu.memory_space<vmem>>
    %dma_start3A_58 = tpu.memref_slice %arg3[%add3A_22] : memref<393216xi32, #tpu.memory_space<hbm>> -> memref<512xi32, #tpu.memory_space<hbm>>
    %dma_start3A_59 = arith.constant 8704 : i32
    %dma_start3A_60 = tpu.memref_slice %arg5[%dma_start3A_59] : memref<10240xi32, #tpu.memory_space<vmem>> -> memref<512xi32, #tpu.memory_space<vmem>>
    %dma_start3A_61 = tpu.memref_slice %arg3[%add3A_22] : memref<393216xi32, #tpu.memory_space<hbm>> -> memref<512xi32, #tpu.memory_space<hbm>>
    tpu.enqueue_dma source(%dma_start3A_61 : memref<512xi32, #tpu.memory_space<hbm>>) target(%dma_start3A_60 : memref<512xi32, #tpu.memory_space<vmem>>) target_semaphore(%arg7 : memref<!tpu.dma_semaphore, #tpu.memory_space<semaphore_mem>>)
    %dma_start3A_62 = arith.constant 9216 : i32
    %dma_start3A_63 = tpu.memref_slice %arg5[%dma_start3A_62] : memref<10240xi32, #tpu.memory_space<vmem>> -> memref<512xi32, #tpu.memory_space<vmem>>
    %dma_start3A_64 = tpu.memref_slice %arg3[%add3A_30] : memref<393216xi32, #tpu.memory_space<hbm>> -> memref<512xi32, #tpu.memory_space<hbm>>
    %dma_start3A_65 = arith.constant 9216 : i32
    %dma_start3A_66 = tpu.memref_slice %arg5[%dma_start3A_65] : memref<10240xi32, #tpu.memory_space<vmem>> -> memref<512xi32, #tpu.memory_space<vmem>>
    %dma_start3A_67 = tpu.memref_slice %arg3[%add3A_30] : memref<393216xi32, #tpu.memory_space<hbm>> -> memref<512xi32, #tpu.memory_space<hbm>>
    tpu.enqueue_dma source(%dma_start3A_67 : memref<512xi32, #tpu.memory_space<hbm>>) target(%dma_start3A_66 : memref<512xi32, #tpu.memory_space<vmem>>) target_semaphore(%arg7 : memref<!tpu.dma_semaphore, #tpu.memory_space<semaphore_mem>>)
    %dma_start3A_68 = arith.constant 9728 : i32
    %dma_start3A_69 = tpu.memref_slice %arg5[%dma_start3A_68] : memref<10240xi32, #tpu.memory_space<vmem>> -> memref<512xi32, #tpu.memory_space<vmem>>
    %dma_start3A_70 = tpu.memref_slice %arg3[%add3A_38] : memref<393216xi32, #tpu.memory_space<hbm>> -> memref<512xi32, #tpu.memory_space<hbm>>
    %dma_start3A_71 = arith.constant 9728 : i32
    %dma_start3A_72 = tpu.memref_slice %arg5[%dma_start3A_71] : memref<10240xi32, #tpu.memory_space<vmem>> -> memref<512xi32, #tpu.memory_space<vmem>>
    %dma_start3A_73 = tpu.memref_slice %arg3[%add3A_38] : memref<393216xi32, #tpu.memory_space<hbm>> -> memref<512xi32, #tpu.memory_space<hbm>>
    tpu.enqueue_dma source(%dma_start3A_73 : memref<512xi32, #tpu.memory_space<hbm>>) target(%dma_start3A_72 : memref<512xi32, #tpu.memory_space<vmem>>) target_semaphore(%arg7 : memref<!tpu.dma_semaphore, #tpu.memory_space<semaphore_mem>>)
    %dma_wait3A = arith.constant 0 : i32
    %dma_wait3A_74 = tpu.memref_slice %arg5[%dma_wait3A] : memref<10240xi32, #tpu.memory_space<vmem>> -> memref<4096xi32, #tpu.memory_space<vmem>>
    %dma_wait3A_75 = tpu.memref_slice %arg3[%add3A_4] : memref<393216xi32, #tpu.memory_space<hbm>> -> memref<4096xi32, #tpu.memory_space<hbm>>
    %dma_wait3A_76 = arith.constant 0 : i32
    %dma_wait3A_77 = tpu.memref_slice %arg5[%dma_wait3A_76] : memref<10240xi32, #tpu.memory_space<vmem>> -> memref<4096xi32, #tpu.memory_space<vmem>>
    %dma_wait3A_78 = tpu.memref_slice %arg3[%add3A_4] : memref<393216xi32, #tpu.memory_space<hbm>> -> memref<4096xi32, #tpu.memory_space<hbm>>
    tpu.wait_dma2 semaphore(%arg7 : memref<!tpu.dma_semaphore, #tpu.memory_space<semaphore_mem>>) src(%dma_wait3A_78 : memref<4096xi32, #tpu.memory_space<hbm>>) dst(%dma_wait3A_77 : memref<4096xi32, #tpu.memory_space<vmem>>)
    %dma_start3A_79 = arith.constant 0 : i32
    %dma_start3A_80 = tpu.memref_slice %arg6[%dma_start3A_79] : memref<10240xf32, #tpu.memory_space<vmem>> -> memref<4096xf32, #tpu.memory_space<vmem>>
    %dma_start3A_81 = arith.constant 0 : i32
    %dma_start3A_82 = tpu.memref_slice %arg5[%dma_start3A_81] : memref<10240xi32, #tpu.memory_space<vmem>> -> memref<4096xi32, #tpu.memory_space<vmem>>
    %dma_start3A_83 = arith.constant 0 : i32
    %dma_start3A_84 = tpu.memref_slice %arg2[%dma_start3A_83] : memref<1032192xf32, #tpu.memory_space<hbm>> -> memref<1032192xf32, #tpu.memory_space<hbm>>
    tpu.enqueue_indirect_dma source(%dma_start3A_84 : memref<1032192xf32, #tpu.memory_space<hbm>>) target(%dma_start3A_80 : memref<4096xf32, #tpu.memory_space<vmem>>) offsets(%dma_start3A_82 : memref<4096xi32, #tpu.memory_space<vmem>>) semaphore(%arg8 : memref<!tpu.dma_semaphore, #tpu.memory_space<semaphore_mem>>)
    %dma_wait3A_85 = arith.constant 4096 : i32
    %dma_wait3A_86 = tpu.memref_slice %arg5[%dma_wait3A_85] : memref<10240xi32, #tpu.memory_space<vmem>> -> memref<4096xi32, #tpu.memory_space<vmem>>
    %dma_wait3A_87 = tpu.memref_slice %arg3[%add3A_6] : memref<393216xi32, #tpu.memory_space<hbm>> -> memref<4096xi32, #tpu.memory_space<hbm>>
    %dma_wait3A_88 = arith.constant 4096 : i32
    %dma_wait3A_89 = tpu.memref_slice %arg5[%dma_wait3A_88] : memref<10240xi32, #tpu.memory_space<vmem>> -> memref<4096xi32, #tpu.memory_space<vmem>>
    %dma_wait3A_90 = tpu.memref_slice %arg3[%add3A_6] : memref<393216xi32, #tpu.memory_space<hbm>> -> memref<4096xi32, #tpu.memory_space<hbm>>
    tpu.wait_dma2 semaphore(%arg7 : memref<!tpu.dma_semaphore, #tpu.memory_space<semaphore_mem>>) src(%dma_wait3A_90 : memref<4096xi32, #tpu.memory_space<hbm>>) dst(%dma_wait3A_89 : memref<4096xi32, #tpu.memory_space<vmem>>)
    %dma_start3A_91 = arith.constant 4096 : i32
    %dma_start3A_92 = tpu.memref_slice %arg6[%dma_start3A_91] : memref<10240xf32, #tpu.memory_space<vmem>> -> memref<4096xf32, #tpu.memory_space<vmem>>
    %dma_start3A_93 = arith.constant 4096 : i32
    %dma_start3A_94 = tpu.memref_slice %arg5[%dma_start3A_93] : memref<10240xi32, #tpu.memory_space<vmem>> -> memref<4096xi32, #tpu.memory_space<vmem>>
    %dma_start3A_95 = arith.constant 0 : i32
    %dma_start3A_96 = tpu.memref_slice %arg2[%dma_start3A_95] : memref<1032192xf32, #tpu.memory_space<hbm>> -> memref<1032192xf32, #tpu.memory_space<hbm>>
    tpu.enqueue_indirect_dma source(%dma_start3A_96 : memref<1032192xf32, #tpu.memory_space<hbm>>) target(%dma_start3A_92 : memref<4096xf32, #tpu.memory_space<vmem>>) offsets(%dma_start3A_94 : memref<4096xi32, #tpu.memory_space<vmem>>) semaphore(%arg8 : memref<!tpu.dma_semaphore, #tpu.memory_space<semaphore_mem>>)
    %dma_wait3A_97 = arith.constant 8192 : i32
    %dma_wait3A_98 = tpu.memref_slice %arg5[%dma_wait3A_97] : memref<10240xi32, #tpu.memory_space<vmem>> -> memref<512xi32, #tpu.memory_space<vmem>>
    %dma_wait3A_99 = tpu.memref_slice %arg3[%add3A_14] : memref<393216xi32, #tpu.memory_space<hbm>> -> memref<512xi32, #tpu.memory_space<hbm>>
    %dma_wait3A_100 = arith.constant 8192 : i32
    %dma_wait3A_101 = tpu.memref_slice %arg5[%dma_wait3A_100] : memref<10240xi32, #tpu.memory_space<vmem>> -> memref<512xi32, #tpu.memory_space<vmem>>
    %dma_wait3A_102 = tpu.memref_slice %arg3[%add3A_14] : memref<393216xi32, #tpu.memory_space<hbm>> -> memref<512xi32, #tpu.memory_space<hbm>>
    tpu.wait_dma2 semaphore(%arg7 : memref<!tpu.dma_semaphore, #tpu.memory_space<semaphore_mem>>) src(%dma_wait3A_102 : memref<512xi32, #tpu.memory_space<hbm>>) dst(%dma_wait3A_101 : memref<512xi32, #tpu.memory_space<vmem>>)
    %dma_start3A_103 = arith.constant 8192 : i32
    %dma_start3A_104 = tpu.memref_slice %arg6[%dma_start3A_103] : memref<10240xf32, #tpu.memory_space<vmem>> -> memref<512xf32, #tpu.memory_space<vmem>>
    %dma_start3A_105 = arith.constant 8192 : i32
    %dma_start3A_106 = tpu.memref_slice %arg5[%dma_start3A_105] : memref<10240xi32, #tpu.memory_space<vmem>> -> memref<512xi32, #tpu.memory_space<vmem>>
    %dma_start3A_107 = arith.constant 0 : i32
    %dma_start3A_108 = tpu.memref_slice %arg2[%dma_start3A_107] : memref<1032192xf32, #tpu.memory_space<hbm>> -> memref<1032192xf32, #tpu.memory_space<hbm>>
    tpu.enqueue_indirect_dma source(%dma_start3A_108 : memref<1032192xf32, #tpu.memory_space<hbm>>) target(%dma_start3A_104 : memref<512xf32, #tpu.memory_space<vmem>>) offsets(%dma_start3A_106 : memref<512xi32, #tpu.memory_space<vmem>>) semaphore(%arg8 : memref<!tpu.dma_semaphore, #tpu.memory_space<semaphore_mem>>)
    %dma_wait3A_109 = arith.constant 8704 : i32
    %dma_wait3A_110 = tpu.memref_slice %arg5[%dma_wait3A_109] : memref<10240xi32, #tpu.memory_space<vmem>> -> memref<512xi32, #tpu.memory_space<vmem>>
    %dma_wait3A_111 = tpu.memref_slice %arg3[%add3A_22] : memref<393216xi32, #tpu.memory_space<hbm>> -> memref<512xi32, #tpu.memory_space<hbm>>
    %dma_wait3A_112 = arith.constant 8704 : i32
    %dma_wait3A_113 = tpu.memref_slice %arg5[%dma_wait3A_112] : memref<10240xi32, #tpu.memory_space<vmem>> -> memref<512xi32, #tpu.memory_space<vmem>>
    %dma_wait3A_114 = tpu.memref_slice %arg3[%add3A_22] : memref<393216xi32, #tpu.memory_space<hbm>> -> memref<512xi32, #tpu.memory_space<hbm>>
    tpu.wait_dma2 semaphore(%arg7 : memref<!tpu.dma_semaphore, #tpu.memory_space<semaphore_mem>>) src(%dma_wait3A_114 : memref<512xi32, #tpu.memory_space<hbm>>) dst(%dma_wait3A_113 : memref<512xi32, #tpu.memory_space<vmem>>)
    %dma_start3A_115 = arith.constant 8704 : i32
    %dma_start3A_116 = tpu.memref_slice %arg6[%dma_start3A_115] : memref<10240xf32, #tpu.memory_space<vmem>> -> memref<512xf32, #tpu.memory_space<vmem>>
    %dma_start3A_117 = arith.constant 8704 : i32
    %dma_start3A_118 = tpu.memref_slice %arg5[%dma_start3A_117] : memref<10240xi32, #tpu.memory_space<vmem>> -> memref<512xi32, #tpu.memory_space<vmem>>
    %dma_start3A_119 = arith.constant 0 : i32
    %dma_start3A_120 = tpu.memref_slice %arg2[%dma_start3A_119] : memref<1032192xf32, #tpu.memory_space<hbm>> -> memref<1032192xf32, #tpu.memory_space<hbm>>
    tpu.enqueue_indirect_dma source(%dma_start3A_120 : memref<1032192xf32, #tpu.memory_space<hbm>>) target(%dma_start3A_116 : memref<512xf32, #tpu.memory_space<vmem>>) offsets(%dma_start3A_118 : memref<512xi32, #tpu.memory_space<vmem>>) semaphore(%arg8 : memref<!tpu.dma_semaphore, #tpu.memory_space<semaphore_mem>>)
    %dma_wait3A_121 = arith.constant 9216 : i32
    %dma_wait3A_122 = tpu.memref_slice %arg5[%dma_wait3A_121] : memref<10240xi32, #tpu.memory_space<vmem>> -> memref<512xi32, #tpu.memory_space<vmem>>
    %dma_wait3A_123 = tpu.memref_slice %arg3[%add3A_30] : memref<393216xi32, #tpu.memory_space<hbm>> -> memref<512xi32, #tpu.memory_space<hbm>>
    %dma_wait3A_124 = arith.constant 9216 : i32
    %dma_wait3A_125 = tpu.memref_slice %arg5[%dma_wait3A_124] : memref<10240xi32, #tpu.memory_space<vmem>> -> memref<512xi32, #tpu.memory_space<vmem>>
    %dma_wait3A_126 = tpu.memref_slice %arg3[%add3A_30] : memref<393216xi32, #tpu.memory_space<hbm>> -> memref<512xi32, #tpu.memory_space<hbm>>
    tpu.wait_dma2 semaphore(%arg7 : memref<!tpu.dma_semaphore, #tpu.memory_space<semaphore_mem>>) src(%dma_wait3A_126 : memref<512xi32, #tpu.memory_space<hbm>>) dst(%dma_wait3A_125 : memref<512xi32, #tpu.memory_space<vmem>>)
    %dma_start3A_127 = arith.constant 9216 : i32
    %dma_start3A_128 = tpu.memref_slice %arg6[%dma_start3A_127] : memref<10240xf32, #tpu.memory_space<vmem>> -> memref<512xf32, #tpu.memory_space<vmem>>
    %dma_start3A_129 = arith.constant 9216 : i32
    %dma_start3A_130 = tpu.memref_slice %arg5[%dma_start3A_129] : memref<10240xi32, #tpu.memory_space<vmem>> -> memref<512xi32, #tpu.memory_space<vmem>>
    %dma_start3A_131 = arith.constant 0 : i32
    %dma_start3A_132 = tpu.memref_slice %arg2[%dma_start3A_131] : memref<1032192xf32, #tpu.memory_space<hbm>> -> memref<1032192xf32, #tpu.memory_space<hbm>>
    tpu.enqueue_indirect_dma source(%dma_start3A_132 : memref<1032192xf32, #tpu.memory_space<hbm>>) target(%dma_start3A_128 : memref<512xf32, #tpu.memory_space<vmem>>) offsets(%dma_start3A_130 : memref<512xi32, #tpu.memory_space<vmem>>) semaphore(%arg8 : memref<!tpu.dma_semaphore, #tpu.memory_space<semaphore_mem>>)
    %dma_wait3A_133 = arith.constant 9728 : i32
    %dma_wait3A_134 = tpu.memref_slice %arg5[%dma_wait3A_133] : memref<10240xi32, #tpu.memory_space<vmem>> -> memref<512xi32, #tpu.memory_space<vmem>>
    %dma_wait3A_135 = tpu.memref_slice %arg3[%add3A_38] : memref<393216xi32, #tpu.memory_space<hbm>> -> memref<512xi32, #tpu.memory_space<hbm>>
    %dma_wait3A_136 = arith.constant 9728 : i32
    %dma_wait3A_137 = tpu.memref_slice %arg5[%dma_wait3A_136] : memref<10240xi32, #tpu.memory_space<vmem>> -> memref<512xi32, #tpu.memory_space<vmem>>
    %dma_wait3A_138 = tpu.memref_slice %arg3[%add3A_38] : memref<393216xi32, #tpu.memory_space<hbm>> -> memref<512xi32, #tpu.memory_space<hbm>>
    tpu.wait_dma2 semaphore(%arg7 : memref<!tpu.dma_semaphore, #tpu.memory_space<semaphore_mem>>) src(%dma_wait3A_138 : memref<512xi32, #tpu.memory_space<hbm>>) dst(%dma_wait3A_137 : memref<512xi32, #tpu.memory_space<vmem>>)
    %dma_start3A_139 = arith.constant 9728 : i32
    %dma_start3A_140 = tpu.memref_slice %arg6[%dma_start3A_139] : memref<10240xf32, #tpu.memory_space<vmem>> -> memref<512xf32, #tpu.memory_space<vmem>>
    %dma_start3A_141 = arith.constant 9728 : i32
    %dma_start3A_142 = tpu.memref_slice %arg5[%dma_start3A_141] : memref<10240xi32, #tpu.memory_space<vmem>> -> memref<512xi32, #tpu.memory_space<vmem>>
    %dma_start3A_143 = arith.constant 0 : i32
    %dma_start3A_144 = tpu.memref_slice %arg2[%dma_start3A_143] : memref<1032192xf32, #tpu.memory_space<hbm>> -> memref<1032192xf32, #tpu.memory_space<hbm>>
    tpu.enqueue_indirect_dma source(%dma_start3A_144 : memref<1032192xf32, #tpu.memory_space<hbm>>) target(%dma_start3A_140 : memref<512xf32, #tpu.memory_space<vmem>>) offsets(%dma_start3A_142 : memref<512xi32, #tpu.memory_space<vmem>>) semaphore(%arg8 : memref<!tpu.dma_semaphore, #tpu.memory_space<semaphore_mem>>)
    %dma_wait3A_145 = arith.constant 0 : i32
    %dma_wait3A_146 = tpu.memref_slice %arg6[%dma_wait3A_145] : memref<10240xf32, #tpu.memory_space<vmem>> -> memref<4096xf32, #tpu.memory_space<vmem>>
    %dma_wait3A_147 = arith.constant 0 : i32
    %dma_wait3A_148 = tpu.memref_slice %arg5[%dma_wait3A_147] : memref<10240xi32, #tpu.memory_space<vmem>> -> memref<4096xi32, #tpu.memory_space<vmem>>
    %dma_wait3A_149 = arith.constant 0 : i32
    %dma_wait3A_150 = tpu.memref_slice %arg2[%dma_wait3A_149] : memref<1032192xf32, #tpu.memory_space<hbm>> -> memref<1032192xf32, #tpu.memory_space<hbm>>
    tpu.wait_indirect_dma semaphore(%arg8 : memref<!tpu.dma_semaphore, #tpu.memory_space<semaphore_mem>>) src(%dma_wait3A_150 : memref<1032192xf32, #tpu.memory_space<hbm>>) dst(%dma_wait3A_146 : memref<4096xf32, #tpu.memory_space<vmem>>)
    %dma_start3A_151 = arith.constant 0 : i32
    %dma_start3A_152 = tpu.memref_slice %arg6[%dma_start3A_151] : memref<10240xf32, #tpu.memory_space<vmem>> -> memref<4096xf32, #tpu.memory_space<vmem>>
    %dma_start3A_153 = tpu.memref_slice %arg4[%add3A_4] : memref<393216xf32, #tpu.memory_space<hbm>> -> memref<4096xf32, #tpu.memory_space<hbm>>
    %dma_start3A_154 = tpu.memref_slice %arg4[%add3A_4] : memref<393216xf32, #tpu.memory_space<hbm>> -> memref<4096xf32, #tpu.memory_space<hbm>>
    %dma_start3A_155 = arith.constant 0 : i32
    %dma_start3A_156 = tpu.memref_slice %arg6[%dma_start3A_155] : memref<10240xf32, #tpu.memory_space<vmem>> -> memref<4096xf32, #tpu.memory_space<vmem>>
    tpu.enqueue_dma source(%dma_start3A_156 : memref<4096xf32, #tpu.memory_space<vmem>>) target(%dma_start3A_154 : memref<4096xf32, #tpu.memory_space<hbm>>) target_semaphore(%arg9 : memref<!tpu.dma_semaphore, #tpu.memory_space<semaphore_mem>>)
    %dma_wait3A_157 = arith.constant 4096 : i32
    %dma_wait3A_158 = tpu.memref_slice %arg6[%dma_wait3A_157] : memref<10240xf32, #tpu.memory_space<vmem>> -> memref<4096xf32, #tpu.memory_space<vmem>>
    %dma_wait3A_159 = arith.constant 4096 : i32
    %dma_wait3A_160 = tpu.memref_slice %arg5[%dma_wait3A_159] : memref<10240xi32, #tpu.memory_space<vmem>> -> memref<4096xi32, #tpu.memory_space<vmem>>
    %dma_wait3A_161 = arith.constant 0 : i32
    %dma_wait3A_162 = tpu.memref_slice %arg2[%dma_wait3A_161] : memref<1032192xf32, #tpu.memory_space<hbm>> -> memref<1032192xf32, #tpu.memory_space<hbm>>
    tpu.wait_indirect_dma semaphore(%arg8 : memref<!tpu.dma_semaphore, #tpu.memory_space<semaphore_mem>>) src(%dma_wait3A_162 : memref<1032192xf32, #tpu.memory_space<hbm>>) dst(%dma_wait3A_158 : memref<4096xf32, #tpu.memory_space<vmem>>)
    %dma_start3A_163 = arith.constant 4096 : i32
    %dma_start3A_164 = tpu.memref_slice %arg6[%dma_start3A_163] : memref<10240xf32, #tpu.memory_space<vmem>> -> memref<4096xf32, #tpu.memory_space<vmem>>
    %dma_start3A_165 = tpu.memref_slice %arg4[%add3A_6] : memref<393216xf32, #tpu.memory_space<hbm>> -> memref<4096xf32, #tpu.memory_space<hbm>>
    %dma_start3A_166 = tpu.memref_slice %arg4[%add3A_6] : memref<393216xf32, #tpu.memory_space<hbm>> -> memref<4096xf32, #tpu.memory_space<hbm>>
    %dma_start3A_167 = arith.constant 4096 : i32
    %dma_start3A_168 = tpu.memref_slice %arg6[%dma_start3A_167] : memref<10240xf32, #tpu.memory_space<vmem>> -> memref<4096xf32, #tpu.memory_space<vmem>>
    tpu.enqueue_dma source(%dma_start3A_168 : memref<4096xf32, #tpu.memory_space<vmem>>) target(%dma_start3A_166 : memref<4096xf32, #tpu.memory_space<hbm>>) target_semaphore(%arg9 : memref<!tpu.dma_semaphore, #tpu.memory_space<semaphore_mem>>)
    %dma_wait3A_169 = arith.constant 8192 : i32
    %dma_wait3A_170 = tpu.memref_slice %arg6[%dma_wait3A_169] : memref<10240xf32, #tpu.memory_space<vmem>> -> memref<512xf32, #tpu.memory_space<vmem>>
    %dma_wait3A_171 = arith.constant 8192 : i32
    %dma_wait3A_172 = tpu.memref_slice %arg5[%dma_wait3A_171] : memref<10240xi32, #tpu.memory_space<vmem>> -> memref<512xi32, #tpu.memory_space<vmem>>
    %dma_wait3A_173 = arith.constant 0 : i32
    %dma_wait3A_174 = tpu.memref_slice %arg2[%dma_wait3A_173] : memref<1032192xf32, #tpu.memory_space<hbm>> -> memref<1032192xf32, #tpu.memory_space<hbm>>
    tpu.wait_indirect_dma semaphore(%arg8 : memref<!tpu.dma_semaphore, #tpu.memory_space<semaphore_mem>>) src(%dma_wait3A_174 : memref<1032192xf32, #tpu.memory_space<hbm>>) dst(%dma_wait3A_170 : memref<512xf32, #tpu.memory_space<vmem>>)
    %dma_start3A_175 = arith.constant 8192 : i32
    %dma_start3A_176 = tpu.memref_slice %arg6[%dma_start3A_175] : memref<10240xf32, #tpu.memory_space<vmem>> -> memref<512xf32, #tpu.memory_space<vmem>>
    %dma_start3A_177 = tpu.memref_slice %arg4[%add3A_14] : memref<393216xf32, #tpu.memory_space<hbm>> -> memref<512xf32, #tpu.memory_space<hbm>>
    %dma_start3A_178 = tpu.memref_slice %arg4[%add3A_14] : memref<393216xf32, #tpu.memory_space<hbm>> -> memref<512xf32, #tpu.memory_space<hbm>>
    %dma_start3A_179 = arith.constant 8192 : i32
    %dma_start3A_180 = tpu.memref_slice %arg6[%dma_start3A_179] : memref<10240xf32, #tpu.memory_space<vmem>> -> memref<512xf32, #tpu.memory_space<vmem>>
    tpu.enqueue_dma source(%dma_start3A_180 : memref<512xf32, #tpu.memory_space<vmem>>) target(%dma_start3A_178 : memref<512xf32, #tpu.memory_space<hbm>>) target_semaphore(%arg9 : memref<!tpu.dma_semaphore, #tpu.memory_space<semaphore_mem>>)
    %dma_wait3A_181 = arith.constant 8704 : i32
    %dma_wait3A_182 = tpu.memref_slice %arg6[%dma_wait3A_181] : memref<10240xf32, #tpu.memory_space<vmem>> -> memref<512xf32, #tpu.memory_space<vmem>>
    %dma_wait3A_183 = arith.constant 8704 : i32
    %dma_wait3A_184 = tpu.memref_slice %arg5[%dma_wait3A_183] : memref<10240xi32, #tpu.memory_space<vmem>> -> memref<512xi32, #tpu.memory_space<vmem>>
    %dma_wait3A_185 = arith.constant 0 : i32
    %dma_wait3A_186 = tpu.memref_slice %arg2[%dma_wait3A_185] : memref<1032192xf32, #tpu.memory_space<hbm>> -> memref<1032192xf32, #tpu.memory_space<hbm>>
    tpu.wait_indirect_dma semaphore(%arg8 : memref<!tpu.dma_semaphore, #tpu.memory_space<semaphore_mem>>) src(%dma_wait3A_186 : memref<1032192xf32, #tpu.memory_space<hbm>>) dst(%dma_wait3A_182 : memref<512xf32, #tpu.memory_space<vmem>>)
    %dma_start3A_187 = arith.constant 8704 : i32
    %dma_start3A_188 = tpu.memref_slice %arg6[%dma_start3A_187] : memref<10240xf32, #tpu.memory_space<vmem>> -> memref<512xf32, #tpu.memory_space<vmem>>
    %dma_start3A_189 = tpu.memref_slice %arg4[%add3A_22] : memref<393216xf32, #tpu.memory_space<hbm>> -> memref<512xf32, #tpu.memory_space<hbm>>
    %dma_start3A_190 = tpu.memref_slice %arg4[%add3A_22] : memref<393216xf32, #tpu.memory_space<hbm>> -> memref<512xf32, #tpu.memory_space<hbm>>
    %dma_start3A_191 = arith.constant 8704 : i32
    %dma_start3A_192 = tpu.memref_slice %arg6[%dma_start3A_191] : memref<10240xf32, #tpu.memory_space<vmem>> -> memref<512xf32, #tpu.memory_space<vmem>>
    tpu.enqueue_dma source(%dma_start3A_192 : memref<512xf32, #tpu.memory_space<vmem>>) target(%dma_start3A_190 : memref<512xf32, #tpu.memory_space<hbm>>) target_semaphore(%arg9 : memref<!tpu.dma_semaphore, #tpu.memory_space<semaphore_mem>>)
    %dma_wait3A_193 = arith.constant 9216 : i32
    %dma_wait3A_194 = tpu.memref_slice %arg6[%dma_wait3A_193] : memref<10240xf32, #tpu.memory_space<vmem>> -> memref<512xf32, #tpu.memory_space<vmem>>
    %dma_wait3A_195 = arith.constant 9216 : i32
    %dma_wait3A_196 = tpu.memref_slice %arg5[%dma_wait3A_195] : memref<10240xi32, #tpu.memory_space<vmem>> -> memref<512xi32, #tpu.memory_space<vmem>>
    %dma_wait3A_197 = arith.constant 0 : i32
    %dma_wait3A_198 = tpu.memref_slice %arg2[%dma_wait3A_197] : memref<1032192xf32, #tpu.memory_space<hbm>> -> memref<1032192xf32, #tpu.memory_space<hbm>>
    tpu.wait_indirect_dma semaphore(%arg8 : memref<!tpu.dma_semaphore, #tpu.memory_space<semaphore_mem>>) src(%dma_wait3A_198 : memref<1032192xf32, #tpu.memory_space<hbm>>) dst(%dma_wait3A_194 : memref<512xf32, #tpu.memory_space<vmem>>)
    %dma_start3A_199 = arith.constant 9216 : i32
    %dma_start3A_200 = tpu.memref_slice %arg6[%dma_start3A_199] : memref<10240xf32, #tpu.memory_space<vmem>> -> memref<512xf32, #tpu.memory_space<vmem>>
    %dma_start3A_201 = tpu.memref_slice %arg4[%add3A_30] : memref<393216xf32, #tpu.memory_space<hbm>> -> memref<512xf32, #tpu.memory_space<hbm>>
    %dma_start3A_202 = tpu.memref_slice %arg4[%add3A_30] : memref<393216xf32, #tpu.memory_space<hbm>> -> memref<512xf32, #tpu.memory_space<hbm>>
    %dma_start3A_203 = arith.constant 9216 : i32
    %dma_start3A_204 = tpu.memref_slice %arg6[%dma_start3A_203] : memref<10240xf32, #tpu.memory_space<vmem>> -> memref<512xf32, #tpu.memory_space<vmem>>
    tpu.enqueue_dma source(%dma_start3A_204 : memref<512xf32, #tpu.memory_space<vmem>>) target(%dma_start3A_202 : memref<512xf32, #tpu.memory_space<hbm>>) target_semaphore(%arg9 : memref<!tpu.dma_semaphore, #tpu.memory_space<semaphore_mem>>)
    %dma_wait3A_205 = arith.constant 9728 : i32
    %dma_wait3A_206 = tpu.memref_slice %arg6[%dma_wait3A_205] : memref<10240xf32, #tpu.memory_space<vmem>> -> memref<512xf32, #tpu.memory_space<vmem>>
    %dma_wait3A_207 = arith.constant 9728 : i32
    %dma_wait3A_208 = tpu.memref_slice %arg5[%dma_wait3A_207] : memref<10240xi32, #tpu.memory_space<vmem>> -> memref<512xi32, #tpu.memory_space<vmem>>
    %dma_wait3A_209 = arith.constant 0 : i32
    %dma_wait3A_210 = tpu.memref_slice %arg2[%dma_wait3A_209] : memref<1032192xf32, #tpu.memory_space<hbm>> -> memref<1032192xf32, #tpu.memory_space<hbm>>
    tpu.wait_indirect_dma semaphore(%arg8 : memref<!tpu.dma_semaphore, #tpu.memory_space<semaphore_mem>>) src(%dma_wait3A_210 : memref<1032192xf32, #tpu.memory_space<hbm>>) dst(%dma_wait3A_206 : memref<512xf32, #tpu.memory_space<vmem>>)
    %dma_start3A_211 = arith.constant 9728 : i32
    %dma_start3A_212 = tpu.memref_slice %arg6[%dma_start3A_211] : memref<10240xf32, #tpu.memory_space<vmem>> -> memref<512xf32, #tpu.memory_space<vmem>>
    %dma_start3A_213 = tpu.memref_slice %arg4[%add3A_38] : memref<393216xf32, #tpu.memory_space<hbm>> -> memref<512xf32, #tpu.memory_space<hbm>>
    %dma_start3A_214 = tpu.memref_slice %arg4[%add3A_38] : memref<393216xf32, #tpu.memory_space<hbm>> -> memref<512xf32, #tpu.memory_space<hbm>>
    %dma_start3A_215 = arith.constant 9728 : i32
    %dma_start3A_216 = tpu.memref_slice %arg6[%dma_start3A_215] : memref<10240xf32, #tpu.memory_space<vmem>> -> memref<512xf32, #tpu.memory_space<vmem>>
    tpu.enqueue_dma source(%dma_start3A_216 : memref<512xf32, #tpu.memory_space<vmem>>) target(%dma_start3A_214 : memref<512xf32, #tpu.memory_space<hbm>>) target_semaphore(%arg9 : memref<!tpu.dma_semaphore, #tpu.memory_space<semaphore_mem>>)
    %dma_wait3A_217 = arith.constant 0 : i32
    %dma_wait3A_218 = tpu.memref_slice %arg6[%dma_wait3A_217] : memref<10240xf32, #tpu.memory_space<vmem>> -> memref<4096xf32, #tpu.memory_space<vmem>>
    %dma_wait3A_219 = tpu.memref_slice %arg4[%add3A_4] : memref<393216xf32, #tpu.memory_space<hbm>> -> memref<4096xf32, #tpu.memory_space<hbm>>
    %dma_wait3A_220 = tpu.memref_slice %arg4[%add3A_4] : memref<393216xf32, #tpu.memory_space<hbm>> -> memref<4096xf32, #tpu.memory_space<hbm>>
    %dma_wait3A_221 = arith.constant 0 : i32
    %dma_wait3A_222 = tpu.memref_slice %arg6[%dma_wait3A_221] : memref<10240xf32, #tpu.memory_space<vmem>> -> memref<4096xf32, #tpu.memory_space<vmem>>
    tpu.wait_dma2 semaphore(%arg9 : memref<!tpu.dma_semaphore, #tpu.memory_space<semaphore_mem>>) src(%dma_wait3A_222 : memref<4096xf32, #tpu.memory_space<vmem>>) dst(%dma_wait3A_220 : memref<4096xf32, #tpu.memory_space<hbm>>)
    %dma_wait3A_223 = arith.constant 4096 : i32
    %dma_wait3A_224 = tpu.memref_slice %arg6[%dma_wait3A_223] : memref<10240xf32, #tpu.memory_space<vmem>> -> memref<4096xf32, #tpu.memory_space<vmem>>
    %dma_wait3A_225 = tpu.memref_slice %arg4[%add3A_6] : memref<393216xf32, #tpu.memory_space<hbm>> -> memref<4096xf32, #tpu.memory_space<hbm>>
    %dma_wait3A_226 = tpu.memref_slice %arg4[%add3A_6] : memref<393216xf32, #tpu.memory_space<hbm>> -> memref<4096xf32, #tpu.memory_space<hbm>>
    %dma_wait3A_227 = arith.constant 4096 : i32
    %dma_wait3A_228 = tpu.memref_slice %arg6[%dma_wait3A_227] : memref<10240xf32, #tpu.memory_space<vmem>> -> memref<4096xf32, #tpu.memory_space<vmem>>
    tpu.wait_dma2 semaphore(%arg9 : memref<!tpu.dma_semaphore, #tpu.memory_space<semaphore_mem>>) src(%dma_wait3A_228 : memref<4096xf32, #tpu.memory_space<vmem>>) dst(%dma_wait3A_226 : memref<4096xf32, #tpu.memory_space<hbm>>)
    %dma_wait3A_229 = arith.constant 8192 : i32
    %dma_wait3A_230 = tpu.memref_slice %arg6[%dma_wait3A_229] : memref<10240xf32, #tpu.memory_space<vmem>> -> memref<512xf32, #tpu.memory_space<vmem>>
    %dma_wait3A_231 = tpu.memref_slice %arg4[%add3A_14] : memref<393216xf32, #tpu.memory_space<hbm>> -> memref<512xf32, #tpu.memory_space<hbm>>
    %dma_wait3A_232 = tpu.memref_slice %arg4[%add3A_14] : memref<393216xf32, #tpu.memory_space<hbm>> -> memref<512xf32, #tpu.memory_space<hbm>>
    %dma_wait3A_233 = arith.constant 8192 : i32
    %dma_wait3A_234 = tpu.memref_slice %arg6[%dma_wait3A_233] : memref<10240xf32, #tpu.memory_space<vmem>> -> memref<512xf32, #tpu.memory_space<vmem>>
    tpu.wait_dma2 semaphore(%arg9 : memref<!tpu.dma_semaphore, #tpu.memory_space<semaphore_mem>>) src(%dma_wait3A_234 : memref<512xf32, #tpu.memory_space<vmem>>) dst(%dma_wait3A_232 : memref<512xf32, #tpu.memory_space<hbm>>)
    %dma_wait3A_235 = arith.constant 8704 : i32
    %dma_wait3A_236 = tpu.memref_slice %arg6[%dma_wait3A_235] : memref<10240xf32, #tpu.memory_space<vmem>> -> memref<512xf32, #tpu.memory_space<vmem>>
    %dma_wait3A_237 = tpu.memref_slice %arg4[%add3A_22] : memref<393216xf32, #tpu.memory_space<hbm>> -> memref<512xf32, #tpu.memory_space<hbm>>
    %dma_wait3A_238 = tpu.memref_slice %arg4[%add3A_22] : memref<393216xf32, #tpu.memory_space<hbm>> -> memref<512xf32, #tpu.memory_space<hbm>>
    %dma_wait3A_239 = arith.constant 8704 : i32
    %dma_wait3A_240 = tpu.memref_slice %arg6[%dma_wait3A_239] : memref<10240xf32, #tpu.memory_space<vmem>> -> memref<512xf32, #tpu.memory_space<vmem>>
    tpu.wait_dma2 semaphore(%arg9 : memref<!tpu.dma_semaphore, #tpu.memory_space<semaphore_mem>>) src(%dma_wait3A_240 : memref<512xf32, #tpu.memory_space<vmem>>) dst(%dma_wait3A_238 : memref<512xf32, #tpu.memory_space<hbm>>)
    %dma_wait3A_241 = arith.constant 9216 : i32
    %dma_wait3A_242 = tpu.memref_slice %arg6[%dma_wait3A_241] : memref<10240xf32, #tpu.memory_space<vmem>> -> memref<512xf32, #tpu.memory_space<vmem>>
    %dma_wait3A_243 = tpu.memref_slice %arg4[%add3A_30] : memref<393216xf32, #tpu.memory_space<hbm>> -> memref<512xf32, #tpu.memory_space<hbm>>
    %dma_wait3A_244 = tpu.memref_slice %arg4[%add3A_30] : memref<393216xf32, #tpu.memory_space<hbm>> -> memref<512xf32, #tpu.memory_space<hbm>>
    %dma_wait3A_245 = arith.constant 9216 : i32
    %dma_wait3A_246 = tpu.memref_slice %arg6[%dma_wait3A_245] : memref<10240xf32, #tpu.memory_space<vmem>> -> memref<512xf32, #tpu.memory_space<vmem>>
    tpu.wait_dma2 semaphore(%arg9 : memref<!tpu.dma_semaphore, #tpu.memory_space<semaphore_mem>>) src(%dma_wait3A_246 : memref<512xf32, #tpu.memory_space<vmem>>) dst(%dma_wait3A_244 : memref<512xf32, #tpu.memory_space<hbm>>)
    %dma_wait3A_247 = arith.constant 9728 : i32
    %dma_wait3A_248 = tpu.memref_slice %arg6[%dma_wait3A_247] : memref<10240xf32, #tpu.memory_space<vmem>> -> memref<512xf32, #tpu.memory_space<vmem>>
    %dma_wait3A_249 = tpu.memref_slice %arg4[%add3A_38] : memref<393216xf32, #tpu.memory_space<hbm>> -> memref<512xf32, #tpu.memory_space<hbm>>
    %dma_wait3A_250 = tpu.memref_slice %arg4[%add3A_38] : memref<393216xf32, #tpu.memory_space<hbm>> -> memref<512xf32, #tpu.memory_space<hbm>>
    %dma_wait3A_251 = arith.constant 9728 : i32
    %dma_wait3A_252 = tpu.memref_slice %arg6[%dma_wait3A_251] : memref<10240xf32, #tpu.memory_space<vmem>> -> memref<512xf32, #tpu.memory_space<vmem>>
    tpu.wait_dma2 semaphore(%arg9 : memref<!tpu.dma_semaphore, #tpu.memory_space<semaphore_mem>>) src(%dma_wait3A_252 : memref<512xf32, #tpu.memory_space<vmem>>) dst(%dma_wait3A_250 : memref<512xf32, #tpu.memory_space<hbm>>)
    return
  }
}

module attributes {stable_mosaic.version = 14 : i64} {
  func.func @_tc_body(%arg0: i32, %arg1: memref<1008x128xf32, #tpu.memory_space<vmem>>, %arg2: memref<128x128xf32, #tpu.memory_space<vmem>>, %arg3: memref<1x16384xi32, #tpu.memory_space<vmem>>, %arg4: memref<20x16384xi32, #tpu.memory_space<vmem>>, %arg5: memref<1x1008x128xf32, #tpu.memory_space<vmem>>, %arg6: memref<24x16384xi32, #tpu.memory_space<vmem>>) attributes {dimension_semantics = [#tpu.dimension_semantics<arbitrary>], iteration_bounds = array<i64: 8>, scalar_prefetch = 0 : i64, scratch_operands = 0 : i64, tpu.core_type = #tpu.core_type<tc>, window_params = [{transform_indices = @transform_0, window_bounds = array<i64: 1008, 128>}, {transform_indices = @transform_1, window_bounds = array<i64: 128, 128>}, {pipeline_mode = #tpu.pipeline_mode<synchronous>, transform_indices = @transform_2, window_bounds = array<i64: 1, 16384>}, {pipeline_mode = #tpu.pipeline_mode<synchronous>, transform_indices = @transform_3, window_bounds = array<i64: 20, 16384>}, {transform_indices = @transform_4, window_bounds = array<i64: 1, 1008, 128>}, {pipeline_mode = #tpu.pipeline_mode<synchronous>, transform_indices = @transform_5, window_bounds = array<i64: 24, 16384>}]} {
    %get3A = arith.constant 0 : index
    %get3A_0 = arith.constant 0 : index
    %get3A_1 = vector.load %arg1[%get3A, %get3A_0] : memref<1008x128xf32, #tpu.memory_space<vmem>>, vector<1008x128xf32>
    %get3A_2 = arith.constant 0 : index
    %get3A_3 = arith.constant 0 : index
    %get3A_4 = vector.load %arg2[%get3A_2, %get3A_3] : memref<128x128xf32, #tpu.memory_space<vmem>>, vector<128x128xf32>
    %dot_general3A = arith.constant dense<0.000000e+00> : vector<1008x128xf32>
    %dot_general3A_5 = tpu.matmul %get3A_1, %get3A_4, %dot_general3A {dimension_numbers = #tpu.dot_dimension_numbers<[1], [1], [0], [0], [0, 0, 1, 0], [], []>, transpose_lhs_hint = false} : vector<1008x128xf32>, vector<128x128xf32>, vector<1008x128xf32> -> vector<1008x128xf32>
    %reshape3A = vector.shape_cast %dot_general3A_5 : vector<1008x128xf32> to vector<1x1008x128xf32>
    %swap3A = arith.constant 0 : index
    %swap3A_6 = arith.constant 0 : index
    %swap3A_7 = arith.constant 0 : index
    %swap3A_8 = vector.load %arg5[%swap3A, %swap3A_6, %swap3A_7] : memref<1x1008x128xf32, #tpu.memory_space<vmem>>, vector<1x1008x128xf32>
    tpu.vector_store %arg5[%swap3A, %swap3A_6, %swap3A_7], %reshape3A {strides = array<i32>} : memref<1x1008x128xf32, #tpu.memory_space<vmem>>, vector<1x1008x128xf32>,
    %eq3A = arith.constant 0 : i32
    %eq3A_9 = arith.cmpi eq, %arg0, %eq3A : i32
    %convert_element_type3A = arith.extui %eq3A_9 : i1 to i32
    %cond3A = arith.constant 0 : i32
    %cond3A_10 = arith.cmpi ne, %convert_element_type3A, %cond3A : i32
    scf.if %cond3A_10 {
      %get3A_11 = arith.constant 0 : index
      %get3A_12 = arith.constant 0 : index
      %get3A_13 = vector.load %arg4[%get3A_11, %get3A_12] : memref<20x16384xi32, #tpu.memory_space<vmem>>, vector<20x16384xi32>
      %shift_right_arithmetic3A = arith.constant 7 : i32
      %shift_right_arithmetic3A_14 = vector.broadcast %shift_right_arithmetic3A : i32 to vector<20x16384xi32>
      %shift_right_arithmetic3A_15 = arith.shrsi %get3A_13, %shift_right_arithmetic3A_14 : vector<20x16384xi32>
      %mul3A = arith.constant 129024 : i32
      %mul3A_16 = vector.broadcast %mul3A : i32 to vector<20x16384xi32>
      %mul3A_17 = arith.muli %shift_right_arithmetic3A_15, %mul3A_16 : vector<20x16384xi32>
      %get3A_18 = arith.constant 0 : index
      %get3A_19 = arith.constant 0 : index
      %get3A_20 = vector.load %arg3[%get3A_18, %get3A_19] : memref<1x16384xi32, #tpu.memory_space<vmem>>, vector<1x16384xi32>
      %mul3A_21 = arith.constant 128 : i32
      %mul3A_22 = vector.broadcast %mul3A_21 : i32 to vector<1x16384xi32>
      %mul3A_23 = arith.muli %get3A_20, %mul3A_22 : vector<1x16384xi32>
      %add3A = vector.broadcast %mul3A_23 : vector<1x16384xi32> to vector<20x16384xi32>
      %add3A_24 = arith.addi %mul3A_17, %add3A : vector<20x16384xi32>
      %and3A = arith.constant 127 : i32
      %and3A_25 = vector.broadcast %and3A : i32 to vector<20x16384xi32>
      %and3A_26 = arith.andi %get3A_13, %and3A_25 : vector<20x16384xi32>
      %add3A_27 = arith.addi %add3A_24, %and3A_26 : vector<20x16384xi32>
      %swap3A_28 = arith.constant 0 : index
      %swap3A_29 = arith.constant 0 : index
      %swap3A_30 = vector.load %arg6[%swap3A_28, %swap3A_29] : memref<24x16384xi32, #tpu.memory_space<vmem>>, vector<20x16384xi32>
      tpu.vector_store %arg6[%swap3A_28, %swap3A_29], %add3A_27 {strides = array<i32>} : memref<24x16384xi32, #tpu.memory_space<vmem>>, vector<20x16384xi32>,
    } else {
    }
    return
  }
  func.func @transform_0(%arg0: i32) -> (i32, i32) {
    %c0_i32 = arith.constant 0 : i32
    %c0_i32_0 = arith.constant 0 : i32
    %c0_i32_1 = arith.constant 0 : i32
    return %c0_i32, %c0_i32_0 : i32, i32
  }
  func.func @transform_1(%arg0: i32) -> (i32, i32) {
    %c0_i32 = arith.constant 0 : i32
    %c0_i32_0 = arith.constant 0 : i32
    return %arg0, %c0_i32 : i32, i32
  }
  func.func @transform_2(%arg0: i32) -> (i32, i32) {
    %c0_i32 = arith.constant 0 : i32
    %c0_i32_0 = arith.constant 0 : i32
    %c0_i32_1 = arith.constant 0 : i32
    return %c0_i32, %c0_i32_0 : i32, i32
  }
  func.func @transform_3(%arg0: i32) -> (i32, i32) {
    %c0_i32 = arith.constant 0 : i32
    %c0_i32_0 = arith.constant 0 : i32
    %c0_i32_1 = arith.constant 0 : i32
    return %c0_i32, %c0_i32_0 : i32, i32
  }
  func.func @transform_4(%arg0: i32) -> (i32, i32, i32) {
    %c0_i32 = arith.constant 0 : i32
    %c0_i32_0 = arith.constant 0 : i32
    %c0_i32_1 = arith.constant 0 : i32
    return %arg0, %c0_i32, %c0_i32_0 : i32, i32, i32
  }
  func.func @transform_5(%arg0: i32) -> (i32, i32) {
    %c0_i32 = arith.constant 0 : i32
    %c0_i32_0 = arith.constant 0 : i32
    %c0_i32_1 = arith.constant 0 : i32
    return %c0_i32, %c0_i32_0 : i32, i32
  }
}

</mosaic_0001>

<sc_bundles>
// kernel: kernel.4.cloned.1.call-start
scs
__scs_entry_jumppad:
0x0: {  	(pc) =	sbr.rel $0x88, $3  }
0x1: {  	(tag) =	ssettag $0x0;
	lr =	simm.s32 $0x1  }
0x2: {  	[smem:$0x3F9E] =	sst lr;
	_ =	strace $0xD0000000  }
0x3: {  	_ = 	snop  }
0x4: {  	_ = 	snop  }
0x5: {  	_ = 	snop  }
0x6: {  	_ = 	snop  }
0x7: {  	_ = 	snop  }
__scs_overlays_trampoline_lowered:
0x8: {  	[smem:$0x3FAD] =	sst s0  }
0x9: {  	[smem:$0x3FAE] =	sst s1  }
0xa: {  	[smem:$0x3FAF] =	sst s2  }
0xb: {  	[smem:$0x3FB0] =	sst s3  }
0xc: {  	[smem:$0x3FB1] =	sst s4  }
0xd: {  	[smem:$0x3FB2] =	sst s5  }
0xe: {  	[smem:$0x3FB3] =	sst s6  }
0xf: {  	[smem:$0x3FB4] =	sst s7  }
0x10: {  	[smem:$0x3FB5] =	sst s8  }
0x11: {  	[smem:$0x3FB6] =	sst s9;
	s0 =	simm.s32 @!p0 $0x0  }
0x12: {  	s1 =	sld [smem:$0x3F9C];
	s0 =	simm.s32 @p0 $0x1  }
0x13: {  	[smem:$0x3FB7] =	sst s0;
	s0 =	simm.s32 @!p1 $0x0  }
0x14: {  	s2 =	sld [smem:$0x3F9B];
	s0 =	simm.s32 @p1 $0x1  }
0x15: {  	[smem:$0x3FB8] =	sst s0;
	s0 =	simm.s32 @!p2 $0x0  }
0x16: {  	s3 =	sld [smem:$0x3FDB];
	s0 =	simm.s32 @p2 $0x1  }
0x17: {  	s4 =	simm.s32 $0x1BF5;
	[smem:$0x3FBA] =	sst s0  }
0x18: {  	s0 =	sld [smem:$0x3F9D];
	_ =	swait.ge [sflag:s4], $0x0  }
0x19: {  	s7 =	sld [smem:$0x3F9E]  }
0x1a: {  	s8 =	sadd.s32 $0xFFFFE003, lr  }
0x1b: {  	s9 =	sadd.s32 $0xFFFFFEF7, lr;
	s5 =	simm.s32 $0xFFFFFFFF;
	p2 =	slt.u32 s8, $0xFFFFF086  }
0x1c: {  	p1 =	slt.u32 s9, $0xF7A;
	s5 =	simm.s32 @!p2 $0x0  }
0x1d: {  	s5 =	simm.s32 @p1 $0x1;
	p0 =	seq.s32 s7, s2  }
0x1e: {  	s7 =	smul.u32 @!p0 $0xF7A, s2;
	p2 =	seq.s32 @!p0 s5, $0x0  }
0x1f: {  	s9 =	smul.u32 $0xF7A, s1;
	s8 =	simm.s32 @!p0 $0x1BF5;
	p2 =	por !p2, p0  }
0x20: {  	[sflag:s8] =	ssyncset.s32 @!p0 $0xFFFFF086;
	s6 =	sadd.s32 @!p0 s3, s7;
	s7 =	simm.s32 @!p0 $0x108  }
0x21: {  	s3 =	sadd.s32 s3, s9;
	s6 =	sadd.s32 @!p0 $0x88, s6;
	s7 =	simm.s32 @p2 $0x1082  }
0x22: {  	[simem:s7], [sflag:s8] =	dma.local @!p0 [hbm:s6], $0xF7A  }
0x23: {  	s9 =	sor.u32 $0xD0000000, s2;
	s6 =	simm.s32 $0x108;
	_ =	swait.ge @!p0 [sflag:s8], $0x0  }
0x24: {  	s3 =	sadd.s32 $0x88, s3;
	s6 =	simm.s32 @!p1 $0x1082;
	[sflag:s4] =	ssyncset.s32 $0xFFFFF086  }
0x25: {  	[simem:s6], [sflag:s4] =	dma.local [hbm:s3], $0xF7A  }
0x26: {  	[smem:$0x3F9E] =	sst s1;
	(tag) =	ssettag s2;
	_ =	strace s9  }
0x27: {  	s1 =	sld [smem:$0x3FAE]  }
0x28: {  	s2 =	sld [smem:$0x3FAF]  }
0x29: {  	s4 =	sld [smem:$0x3FB1]  }
0x2a: {  	p0 =	seq.s32 s5, $0x0;
	s5 =	sld [smem:$0x3FB2]  }
0x2b: {  	s6 =	sld [smem:$0x3FB3]  }
0x2c: {  	s7 =	sld [smem:$0x3FB4]  }
0x2d: {  	s3 =	simm.s32 $0x108;
	s8 =	sld [smem:$0x3FB5]  }
0x2e: {  	s3 =	simm.s32 @!p0 $0x1082;
	s9 =	sld [smem:$0x3FB6]  }
0x2f: {  	lr =	sadd.s32 s0, s3;
	s0 =	sld [smem:$0x3FAD]  }
0x30: {  	s3 =	sld [smem:$0x3FB0]  }
0x31: {  	[smem:$0x3FB9] =	sst s10  }
0x32: {  	s10 =	sld [smem:$0x3FB7];
	_ =	sdelay $0x3  }
0x33: {  	p0 =	seq.s32 s10, $0x1;
	s10 =	sld [smem:$0x3FB9];
	_ =	sdelay $0x3  }
0x34: {  	[smem:$0x3FB9] =	sst s10  }
0x35: {  	s10 =	sld [smem:$0x3FB8];
	_ =	sdelay $0x3  }
0x36: {  	p1 =	seq.s32 s10, $0x1;
	s10 =	sld [smem:$0x3FB9];
	_ =	sdelay $0x3  }
0x37: {  	[smem:$0x3FB9] =	sst s10  }
0x38: {  	s10 =	sld [smem:$0x3FBA]  }
0x39: {  	_ = 	snop;
	(pc) =	sbr.ind lr, $3  }
0x3a: {  	_ = 	snop  }
0x3b: {  	_ = 	snop  }
0x3c: {  	p2 =	seq.s32 s10, $0x1;
	s10 =	sld [smem:$0x3FB9]  }
0x3d: {  	_ =	shalt  }
0x3e: {  	_ =	shalt  }
0x3f: {  	_ =	shalt  }
0x40: {  	_ =	shalt  }
0x41: {  	_ =	shalt  }
0x42: {  	_ =	shalt  }
0x43: {  	_ =	shalt  }
0x44: {  	_ =	shalt  }
0x45: {  	_ =	shalt  }
0x46: {  	_ =	shalt  }
0x47: {  	_ =	shalt  }
0x48: {  	_ =	shalt  }
0x49: {  	_ =	shalt  }
0x4a: {  	_ =	shalt  }
0x4b: {  	_ =	shalt  }
0x4c: {  	_ =	shalt  }
0x4d: {  	_ =	shalt  }
0x4e: {  	_ =	shalt  }
0x4f: {  	_ =	shalt  }
0x50: {  	_ =	shalt  }
0x51: {  	_ =	shalt  }
0x52: {  	_ =	shalt  }
0x53: {  	_ =	shalt  }
0x54: {  	_ =	shalt  }
0x55: {  	_ =	shalt  }
0x56: {  	_ =	shalt  }
0x57: {  	_ =	shalt  }
0x58: {  	_ =	shalt  }
0x59: {  	_ =	shalt  }
0x5a: {  	_ =	shalt  }
0x5b: {  	_ =	shalt  }
0x5c: {  	_ =	shalt  }
0x5d: {  	_ =	shalt  }
0x5e: {  	_ =	shalt  }
0x5f: {  	_ =	shalt  }
0x60: {  	_ =	shalt  }
0x61: {  	_ =	shalt  }
0x62: {  	_ =	shalt  }
0x63: {  	_ =	shalt  }
0x64: {  	_ =	shalt  }
0x65: {  	_ =	shalt  }
0x66: {  	_ =	shalt  }
0x67: {  	_ =	shalt  }
0x68: {  	_ =	shalt  }
0x69: {  	_ =	shalt  }
0x6a: {  	_ =	shalt  }
0x6b: {  	_ =	shalt  }
0x6c: {  	_ =	shalt  }
0x6d: {  	_ =	shalt  }
0x6e: {  	_ =	shalt  }
0x6f: {  	_ =	shalt  }
0x70: {  	_ =	shalt  }
0x71: {  	_ =	shalt  }
0x72: {  	_ =	shalt  }
0x73: {  	_ =	shalt  }
0x74: {  	_ =	shalt  }
0x75: {  	_ =	shalt  }
0x76: {  	_ =	shalt  }
0x77: {  	_ =	shalt  }
0x78: {  	_ =	shalt  }
0x79: {  	_ =	shalt  }
0x7a: {  	_ =	shalt  }
0x7b: {  	_ =	shalt  }
0x7c: {  	_ =	shalt  }
0x7d: {  	_ =	shalt  }
0x7e: {  	_ =	shalt  }
0x7f: {  	_ =	shalt  }
0x80: {  	_ =	shalt  }
0x81: {  	_ =	shalt  }
0x82: {  	_ =	shalt  }
0x83: {  	_ =	shalt  }
0x84: {  	_ =	shalt  }
0x85: {  	_ =	shalt  }
0x86: {  	_ =	shalt  }
0x87: {  	_ =	shalt  }
.Lfunc_end0:
.L_simem_size_0:
called_computation_lowered:
.L_overlay_start_0:
0x88: {  	s2 =	sld [smem:$0x3FD9]  }
0x89: {  	s3 =	sld [smem:$0x3FFE];
	_ =	sdelay $0x1  }
0x8a: {  	s1 =	srdreg.scid  }
0x8b: {  	s0 =	sand.u32 $0x1, s1  }
0x8c: {  	s17 =	sshll.u32 s0, $0xA;
	s2 =	sadd.s32 s3, s2  }
0x8d: {  	s2 =	sadd.s32 s2, s17  }
0x8e: {  	[smem:$0x3FC5] =	sst s2  }
0x8f: {  	_ = 	snop  }
0x90: {  	s2 =	sld [smem:$0x3FD0];
	(tm) =	ssettm $0x1  }
0x91: {  	s18 =	sld [smem:$0x3FFB];
	_ =	sdelay $0x3  }
0x92: {  	_ =	strace s18  }
0x93: {  	s3 =	sld [smem:$0x3FFC];
	_ =	sdelay $0x3  }
0x94: {  	_ =	strace s3  }
0x95: {  	s3 =	sld [smem:$0x3FFD];
	_ =	sdelay $0x3  }
0x96: {  	_ =	strace s3  }
0x97: {  	_ =	strace $0x8FFFFFFF  }
0x98: {  	s19 =	sld [smem:$0x3FDB];
	_ =	sdelay $0x1  }
0x99: {  	s4 =	simm.s32 $_scs_section_size  }
0x9a: {  	s5 =	simm.s32 $_size__tile_overlayer_lowered;
	s6 =	simm.s32 $_tile_overlayer_lowered  }
0x9b: {  	s22 =	simm.s32 $0x1BFF;
	s21 =	sshll.u32 s6, $0x1;
	s3 =	sadd.s32 s4, s19  }
0x9c: {  	s7 =	simm.s32 $0x0;
	s20 =	sshll.u32 s5, $0x1;
	s5 =	sadd.s32 s21, s3  }
0x9d: {  	[timem:s7], [sflag:s22] =	dma.local [hbm:s5], s20  }
0x9e: {  	_ =	swait.ge [sflag:s22], s20  }
0x9f: {  	s4 =	ssub.s32 $0x0, s20;
	[sflag:s22] =	ssyncset.done $0x0  }
0xa0: {  	[sflag:s22] =	ssyncadd.s32 s4;
	_ =	sdelay $0x1  }
0xa1: {  	s23 =	simm.s32 $0x1B8B  }
0xa2: {  	_ =	swait.ge [sflag:s23], $0x1  }
0xa3: {  	[sflag:s23] =	ssyncset.done $0x0  }
0xa4: {  	s25 =	simm.s32 $0x1B8E;
	s24 =	sld [smem:$0x3FFE];
	[sflag:s23] =	ssyncadd.s32 $0xFFFFFFFF  }
0xa5: {  	s26 =	simm.s32 $execute0_lowered;
	[smem:$0x3FD2] =	sst s25  }
0xa6: {  	s5 =	sshll.u32 s26, $0x1;
	_ =	strace $0x80000046;
	[dreg:$0x1] =	wrdreg $0xFFFFFFFF  }
0xa7: {  	s28 =	simm.s32 $_size_execute0_lowered;
	s3 =	sadd.s32 s3, s5;
	[dreg:$0x0] =	wrdreg $0x0  }
0xa8: {  	s5 =	sshll.u32 s28, $0x1;
	[dreg:$0x2] =	wrdreg s3  }
0xa9: {  	[dreg:$0x3] =	wrdreg s5  }
0xaa: {  	[dreg:$0x4] =	wrdreg $0xC0  }
0xab: {  	_ =	task [dreg:s7], $0x5FFFF  }
0xac: {  	[dreg:$0x1] =	wrdreg $0xFFFFFFFF  }
0xad: {  	[dreg:$0x0] =	wrdreg $0x60  }
0xae: {  	[dreg:$0x2] =	wrdreg s24  }
0xaf: {  	[dreg:$0x3] =	wrdreg s2  }
0xb0: {  	[dreg:$0x4] =	wrdreg $0x9  }
0xb1: {  	_ =	task.clear_ibuf [dreg:s7], $0x5FFFF;
	_ =	strace $0x90000046  }
0xb2: {  	s29 =	simm.s32 $0x9;
	_ =	strace $0x80000048  }
0xb3: {  	_ =	swait.ge [sflag:s29], $0x1  }
0xb4: {  	[sflag:s29] =	ssyncadd.s32 $0xFFFFFFFF  }
0xb5: {  	_ =	strace $0x90000048  }
0xb6: {  	_ =	sfence  }
0xb7: {  	s30 =	sld [smem:$0x0];
	_ =	sdelay $0x2  }
0xb8: {  	s31 =	sshll.u32 s1, $0xD;
	s1 =	sshrl.u32 s1, $0x2  }
0xb9: {  	s3 =	sand.u32 $0x4000, s31;
	s1 =	sadd.s32 s1, s30  }
0xba: {  	s0 =	sor.u32 s3, s0;
	s1 =	sshll.u32 s1, $0x11  }
0xbb: {  	s0 =	sor.u32 s1, s0  }
0xbc: {  	s0 =	sadd.s32 $0x8F2B, s0  }
0xbd: {  	[sflag:s0] =	ssyncadd.remote.s32 $0x1  }
0xbe: {  	_ =	sfence.sel $0xFFFF  }
0xbf: {  	[dreg:$0x0] =	wrdreg $0xFFFFFFFF;
	(pc) =	sbr.abs _section_cstart, $3  }
0xc0: {  	[dreg:$0x1] =	wrdreg $0xFFFFFFFF  }
0xc1: {  	_ =	task.clear_ibuf [dreg:s7], $0x2FFFF;
	_ =	strace $0x9FFFFFFF  }
0xc2: {  	(tm) =	ssettm $0x7FFFFFFF  }
0xc3: {  	_ =	shalt  }
tec
execute0_lowered:
.L_overlay_start_1:
0x0: {  	(tag) =	ssettag $0x1  }
0x1: {  	s1 =	srdreg.scid;
	s0 =	stileid.u32  }
0x2: {  	s14 =	rddreg [dreg:$0x0];
	s31 =	sand.u32 $0x1, s1;
	s3 =	sshll.u32 s0, $0x1  }
0x3: {  	s29 =	rddreg [dreg:$0x1];
	s3 =	sor.u32 s31, s3  }
0x4: {  	s2 =	simm.s32 $0x0;
	s11 =	sadd.s32 $0x20800, s14;
	s23 =	sshll.u32 s3, $0xA  }
0x5: {  	[smem:$0x7FF] =	sst s2;
	s4 =	sadd.s32 s11, s23  }
0x6: {  	_ =	strace $0x80000047;
	[dreg:$0x3] =	wrdreg s4  }
0x7: {  	s9 =	sshll.u32 s3, $0x9;
	s24 =	sor.u32 $0x200, s23;
	s4 =	rddreg [dreg:$0x3]  }
0x8: {  	[tilespmem:s2], [sflag:$0x1] =	stream.linear.gather [hbm4b:s4+s2], $0x1000, $0x38;
	[tilespmem:$0x5000] =	vst v63  }
0x9: {  	s25 =	sor.u32 $0x8000, s9;
	s3 =	sadd.s32 s11, s24;
	s4 =	simm.s32 $0x1000  }
0xa: {  	[tilespmem:s4], [sflag:$0x1] =	stream.linear.gather [hbm4b:s3+s2], $0x1000, $0x38;
	[tilespmem:$0x5000] =	vst v63  }
0xb: {  	s6 =	simm.s32 $0x2000;
	s26 =	sor.u32 $0x8080, s9;
	s5 =	sadd.s32 s11, s25  }
0xc: {  	[tilespmem:s6], [sflag:$0x1] =	stream.linear.gather [hbm4b:s5+s2], $0x200, $0x38;
	[tilespmem:$0x5000] =	vst v63  }
0xd: {  	s8 =	simm.s32 $0x2200;
	s28 =	sor.u32 $0x8100, s9;
	s7 =	sadd.s32 s11, s26  }
0xe: {  	[tilespmem:s8], [sflag:$0x1] =	stream.linear.gather [hbm4b:s7+s2], $0x200, $0x38;
	[tilespmem:$0x5000] =	vst v63  }
0xf: {  	s10 =	simm.s32 $0x2400;
	s30 =	sor.u32 $0x8180, s9;
	s9 =	sadd.s32 s11, s28  }
0x10: {  	[tilespmem:s10], [sflag:$0x1] =	stream.linear.gather [hbm4b:s9+s2], $0x200, $0x38;
	[tilespmem:$0x5000] =	vst v63  }
0x11: {  	s12 =	simm.s32 $0x2600;
	s13 =	simm.s32 $0x1;
	s11 =	sadd.s32 s11, s30  }
0x12: {  	[tilespmem:s12], [sflag:$0x1] =	stream.linear.gather [hbm4b:s11+s2], $0x200, $0x38;
	[tilespmem:$0x5000] =	vst v63  }
0x13: {  	_ =	swait.ge [sflag:s13], $0x1000  }
0x14: {  	[sflag:s13] =	ssyncset.done $0x0  }
0x15: {  	s15 =	simm.s32 $0x2800;
	s14 =	sadd.s32 $0x1000, s14;
	[sflag:s13] =	ssyncadd.s32 $0xFFFFF000  }
0x16: {  	[tilespmem:s15], [sflag:$0x2] =	stream.indirect.gather [hbm4b:s14+s4], $0x1, s2, s4, $0xb8;
	[tilespmem:$0x5000] =	vst v63  }
0x17: {  	_ =	swait.ge [sflag:s13], $0x1000  }
0x18: {  	[sflag:s13] =	ssyncset.done $0x0  }
0x19: {  	s16 =	simm.s32 $0x3800;
	[sflag:s13] =	ssyncadd.s32 $0xFFFFF000  }
0x1a: {  	[tilespmem:s16], [sflag:$0x2] =	stream.indirect.gather [hbm4b:s14+s4], $0x1, s4, s4, $0xb8;
	[tilespmem:$0x5000] =	vst v63  }
0x1b: {  	_ =	swait.ge [sflag:s13], $0x200  }
0x1c: {  	[sflag:s13] =	ssyncset.done $0x0  }
0x1d: {  	s17 =	simm.s32 $0x200;
	s18 =	simm.s32 $0x4800;
	[sflag:s13] =	ssyncadd.s32 $0xFFFFFE00  }
0x1e: {  	[tilespmem:s18], [sflag:$0x2] =	stream.indirect.gather [hbm4b:s14+s17], $0x1, s6, s17, $0xb8;
	[tilespmem:$0x5000] =	vst v63  }
0x1f: {  	_ =	swait.ge [sflag:s13], $0x200  }
0x20: {  	[sflag:s13] =	ssyncset.done $0x0  }
0x21: {  	s19 =	simm.s32 $0x4A00;
	[sflag:s13] =	ssyncadd.s32 $0xFFFFFE00  }
0x22: {  	[tilespmem:s19], [sflag:$0x2] =	stream.indirect.gather [hbm4b:s14+s17], $0x1, s8, s17, $0xb8;
	[tilespmem:$0x5000] =	vst v63  }
0x23: {  	_ =	swait.ge [sflag:s13], $0x200  }
0x24: {  	[sflag:s13] =	ssyncset.done $0x0  }
0x25: {  	s20 =	simm.s32 $0x4C00;
	[sflag:s13] =	ssyncadd.s32 $0xFFFFFE00  }
0x26: {  	[tilespmem:s20], [sflag:$0x2] =	stream.indirect.gather [hbm4b:s14+s17], $0x1, s10, s17, $0xb8;
	[tilespmem:$0x5000] =	vst v63  }
0x27: {  	_ =	swait.ge [sflag:s13], $0x200  }
0x28: {  	[sflag:s13] =	ssyncset.done $0x0  }
0x29: {  	s21 =	simm.s32 $0x4E00;
	s22 =	simm.s32 $0x2;
	[sflag:s13] =	ssyncadd.s32 $0xFFFFFE00  }
0x2a: {  	[tilespmem:s21], [sflag:$0x2] =	stream.indirect.gather [hbm4b:s14+s17], $0x1, s12, s17, $0xb8;
	[tilespmem:$0x5000] =	vst v63  }
0x2b: {  	_ =	swait.ge [sflag:s22], $0x1000  }
0x2c: {  	[sflag:s22] =	ssyncset.done $0x0  }
0x2d: {  	s23 =	sadd.s32 s29, s23;
	[sflag:s22] =	ssyncadd.s32 $0xFFFFF000  }
0x2e: {  	[hbm4b:s23+s2] =	stream.linear.scatter [tilespmem:s15], [sflag:$0x3], $0x1000, $0x38;
	[tilespmem:$0x5000] =	vst v63  }
0x2f: {  	_ =	swait.ge [sflag:s22], $0x1000  }
0x30: {  	[sflag:s22] =	ssyncset.done $0x0  }
0x31: {  	s24 =	sadd.s32 s29, s24;
	[sflag:s22] =	ssyncadd.s32 $0xFFFFF000  }
0x32: {  	[hbm4b:s24+s2] =	stream.linear.scatter [tilespmem:s16], [sflag:$0x3], $0x1000, $0x38;
	[tilespmem:$0x5000] =	vst v63  }
0x33: {  	_ =	swait.ge [sflag:s22], $0x200  }
0x34: {  	[sflag:s22] =	ssyncset.done $0x0  }
0x35: {  	s25 =	sadd.s32 s29, s25;
	[sflag:s22] =	ssyncadd.s32 $0xFFFFFE00  }
0x36: {  	[hbm4b:s25+s2] =	stream.linear.scatter [tilespmem:s18], [sflag:$0x3], $0x200, $0x38;
	[tilespmem:$0x5000] =	vst v63  }
0x37: {  	_ =	swait.ge [sflag:s22], $0x200  }
0x38: {  	[sflag:s22] =	ssyncset.done $0x0  }
0x39: {  	s26 =	sadd.s32 s29, s26;
	[sflag:s22] =	ssyncadd.s32 $0xFFFFFE00  }
0x3a: {  	[hbm4b:s26+s2] =	stream.linear.scatter [tilespmem:s19], [sflag:$0x3], $0x200, $0x38;
	[tilespmem:$0x5000] =	vst v63  }
0x3b: {  	_ =	swait.ge [sflag:s22], $0x200  }
0x3c: {  	[sflag:s22] =	ssyncset.done $0x0  }
0x3d: {  	s28 =	sadd.s32 s29, s28;
	[sflag:s22] =	ssyncadd.s32 $0xFFFFFE00  }
0x3e: {  	[hbm4b:s28+s2] =	stream.linear.scatter [tilespmem:s20], [sflag:$0x3], $0x200, $0x38;
	[tilespmem:$0x5000] =	vst v63  }
0x3f: {  	_ =	swait.ge [sflag:s22], $0x200  }
0x40: {  	[sflag:s22] =	ssyncset.done $0x0  }
0x41: {  	s29 =	sadd.s32 s29, s30;
	s30 =	simm.s32 $0x3;
	[sflag:s22] =	ssyncadd.s32 $0xFFFFFE00  }
0x42: {  	[hbm4b:s29+s2] =	stream.linear.scatter [tilespmem:s21], [sflag:$0x3], $0x200, $0x38;
	[tilespmem:$0x5000] =	vst v63  }
0x43: {  	_ =	swait.ge [sflag:s30], $0x1000  }
0x44: {  	[sflag:s30] =	ssyncset.done $0x0  }
0x45: {  	[sflag:s30] =	ssyncadd.s32 $0xFFFFF000  }
0x46: {  	_ =	swait.ge [sflag:s30], $0x1000  }
0x47: {  	[sflag:s30] =	ssyncset.done $0x0  }
0x48: {  	[sflag:s30] =	ssyncadd.s32 $0xFFFFF000  }
0x49: {  	s31 =	ssub.s32 $0x2, s31;
	_ =	swait.ge [sflag:s30], $0x200  }
0x4a: {  	s1 =	sshrl.u32 s31, $0x1;
	[sflag:s30] =	ssyncset.done $0x0  }
0x4b: {  	s1 =	ssub.s32 s31, s1;
	[sflag:s30] =	ssyncadd.s32 $0xFFFFFE00  }
0x4c: {  	s1 =	smax.u32 s1, $0x1;
	_ =	swait.ge [sflag:s30], $0x200  }
0x4d: {  	p0 =	sne.s32 s1, $0x1;
	[sflag:s30] =	ssyncset.done $0x0  }
.Ltmp0:
0x4e: {  	[sflag:s30] =	ssyncadd.s32 $0xFFFFFE00;
	(pc) =	sbr.rel @!p0 .LBB2_2-.Ltmp0, $4  }
0x4f: {  	_ =	swait.ge [sflag:s30], $0x200  }
0x50: {  	[sflag:s30] =	ssyncset.done $0x0  }
0x51: {  	[sflag:s30] =	ssyncadd.s32 $0xFFFFFE00  }
0x52: {  	s31 =	sadd.s32 $0xFFFFFFFF, s1;
	_ =	swait.ge [sflag:s30], $0x200  }
.LBB2_1:
0x53: {  	[sflag:s30] =	ssyncset.done $0x0  }
0x54: {  	s1 =	rddreg [dreg:$0x3];
	[sflag:s30] =	ssyncadd.s32 $0xFFFFFE00  }
0x55: {  	[tilespmem:s2], [sflag:$0x1] =	stream.linear.gather [hbm4b:s1+s2], $0x1000, $0x38;
	[tilespmem:$0x5000] =	vst v63  }
0x56: {  	_ = 	snop  }
0x57: {  	[tilespmem:s4], [sflag:$0x1] =	stream.linear.gather [hbm4b:s3+s2], $0x1000, $0x38;
	[tilespmem:$0x5000] =	vst v63  }
0x58: {  	_ = 	snop  }
0x59: {  	[tilespmem:s6], [sflag:$0x1] =	stream.linear.gather [hbm4b:s5+s2], $0x200, $0x38;
	[tilespmem:$0x5000] =	vst v63  }
0x5a: {  	_ = 	snop  }
0x5b: {  	[tilespmem:s8], [sflag:$0x1] =	stream.linear.gather [hbm4b:s7+s2], $0x200, $0x38;
	[tilespmem:$0x5000] =	vst v63  }
0x5c: {  	_ = 	snop  }
0x5d: {  	[tilespmem:s10], [sflag:$0x1] =	stream.linear.gather [hbm4b:s9+s2], $0x200, $0x38;
	[tilespmem:$0x5000] =	vst v63  }
0x5e: {  	_ = 	snop  }
0x5f: {  	[tilespmem:s12], [sflag:$0x1] =	stream.linear.gather [hbm4b:s11+s2], $0x200, $0x38;
	[tilespmem:$0x5000] =	vst v63  }
0x60: {  	_ =	swait.ge [sflag:s13], $0x1000  }
0x61: {  	[sflag:s13] =	ssyncset.done $0x0  }
0x62: {  	[sflag:s13] =	ssyncadd.s32 $0xFFFFF000  }
0x63: {  	[tilespmem:s15], [sflag:$0x2] =	stream.indirect.gather [hbm4b:s14+s4], $0x1, s2, s4, $0xb8;
	[tilespmem:$0x5000] =	vst v63  }
0x64: {  	_ =	swait.ge [sflag:s13], $0x1000  }
0x65: {  	[sflag:s13] =	ssyncset.done $0x0  }
0x66: {  	[sflag:s13] =	ssyncadd.s32 $0xFFFFF000  }
0x67: {  	[tilespmem:s16], [sflag:$0x2] =	stream.indirect.gather [hbm4b:s14+s4], $0x1, s4, s4, $0xb8;
	[tilespmem:$0x5000] =	vst v63  }
0x68: {  	_ =	swait.ge [sflag:s13], $0x200  }
0x69: {  	[sflag:s13] =	ssyncset.done $0x0  }
0x6a: {  	[sflag:s13] =	ssyncadd.s32 $0xFFFFFE00  }
0x6b: {  	[tilespmem:s18], [sflag:$0x2] =	stream.indirect.gather [hbm4b:s14+s17], $0x1, s6, s17, $0xb8;
	[tilespmem:$0x5000] =	vst v63  }
0x6c: {  	_ =	swait.ge [sflag:s13], $0x200  }
0x6d: {  	[sflag:s13] =	ssyncset.done $0x0  }
0x6e: {  	[sflag:s13] =	ssyncadd.s32 $0xFFFFFE00  }
0x6f: {  	[tilespmem:s19], [sflag:$0x2] =	stream.indirect.gather [hbm4b:s14+s17], $0x1, s8, s17, $0xb8;
	[tilespmem:$0x5000] =	vst v63  }
0x70: {  	_ =	swait.ge [sflag:s13], $0x200  }
0x71: {  	[sflag:s13] =	ssyncset.done $0x0  }
0x72: {  	[sflag:s13] =	ssyncadd.s32 $0xFFFFFE00  }
0x73: {  	[tilespmem:s20], [sflag:$0x2] =	stream.indirect.gather [hbm4b:s14+s17], $0x1, s10, s17, $0xb8;
	[tilespmem:$0x5000] =	vst v63  }
0x74: {  	_ =	swait.ge [sflag:s13], $0x200  }
0x75: {  	[sflag:s13] =	ssyncset.done $0x0  }
0x76: {  	[sflag:s13] =	ssyncadd.s32 $0xFFFFFE00  }
0x77: {  	[tilespmem:s21], [sflag:$0x2] =	stream.indirect.gather [hbm4b:s14+s17], $0x1, s12, s17, $0xb8;
	[tilespmem:$0x5000] =	vst v63  }
0x78: {  	_ =	swait.ge [sflag:s22], $0x1000  }
0x79: {  	[sflag:s22] =	ssyncset.done $0x0  }
0x7a: {  	[sflag:s22] =	ssyncadd.s32 $0xFFFFF000  }
0x7b: {  	[hbm4b:s23+s2] =	stream.linear.scatter [tilespmem:s15], [sflag:$0x3], $0x1000, $0x38;
	[tilespmem:$0x5000] =	vst v63  }
0x7c: {  	_ =	swait.ge [sflag:s22], $0x1000  }
0x7d: {  	[sflag:s22] =	ssyncset.done $0x0  }
0x7e: {  	[sflag:s22] =	ssyncadd.s32 $0xFFFFF000  }
0x7f: {  	[hbm4b:s24+s2] =	stream.linear.scatter [tilespmem:s16], [sflag:$0x3], $0x1000, $0x38;
	[tilespmem:$0x5000] =	vst v63  }
0x80: {  	_ =	swait.ge [sflag:s22], $0x200  }
0x81: {  	[sflag:s22] =	ssyncset.done $0x0  }
0x82: {  	[sflag:s22] =	ssyncadd.s32 $0xFFFFFE00  }
0x83: {  	[hbm4b:s25+s2] =	stream.linear.scatter [tilespmem:s18], [sflag:$0x3], $0x200, $0x38;
	[tilespmem:$0x5000] =	vst v63  }
0x84: {  	_ =	swait.ge [sflag:s22], $0x200  }
0x85: {  	[sflag:s22] =	ssyncset.done $0x0  }
0x86: {  	[sflag:s22] =	ssyncadd.s32 $0xFFFFFE00  }
0x87: {  	[hbm4b:s26+s2] =	stream.linear.scatter [tilespmem:s19], [sflag:$0x3], $0x200, $0x38;
	[tilespmem:$0x5000] =	vst v63  }
0x88: {  	_ =	swait.ge [sflag:s22], $0x200  }
0x89: {  	[sflag:s22] =	ssyncset.done $0x0  }
0x8a: {  	[sflag:s22] =	ssyncadd.s32 $0xFFFFFE00  }
0x8b: {  	[hbm4b:s28+s2] =	stream.linear.scatter [tilespmem:s20], [sflag:$0x3], $0x200, $0x38;
	[tilespmem:$0x5000] =	vst v63  }
0x8c: {  	_ =	swait.ge [sflag:s22], $0x200  }
0x8d: {  	[sflag:s22] =	ssyncset.done $0x0  }
0x8e: {  	[sflag:s22] =	ssyncadd.s32 $0xFFFFFE00  }
0x8f: {  	[hbm4b:s29+s2] =	stream.linear.scatter [tilespmem:s21], [sflag:$0x3], $0x200, $0x38;
	[tilespmem:$0x5000] =	vst v63  }
0x90: {  	_ =	swait.ge [sflag:s30], $0x1000  }
0x91: {  	[sflag:s30] =	ssyncset.done $0x0  }
0x92: {  	[sflag:s30] =	ssyncadd.s32 $0xFFFFF000  }
0x93: {  	_ =	swait.ge [sflag:s30], $0x1000  }
0x94: {  	[sflag:s30] =	ssyncset.done $0x0  }
0x95: {  	[sflag:s30] =	ssyncadd.s32 $0xFFFFF000  }
0x96: {  	_ =	swait.ge [sflag:s30], $0x200  }
0x97: {  	[sflag:s30] =	ssyncset.done $0x0  }
0x98: {  	[sflag:s30] =	ssyncadd.s32 $0xFFFFFE00  }
0x99: {  	_ =	swait.ge [sflag:s30], $0x200  }
0x9a: {  	p0 =	sne.s32 s31, $0x1;
	[sflag:s30] =	ssyncset.done $0x0  }
.Ltmp1:
0x9b: {  	[sflag:s30] =	ssyncadd.s32 $0xFFFFFE00;
	(pc) =	sbr.rel @p0 .LBB2_1-.Ltmp1, $4  }
0x9c: {  	_ =	swait.ge [sflag:s30], $0x200  }
0x9d: {  	[sflag:s30] =	ssyncset.done $0x0  }
0x9e: {  	[sflag:s30] =	ssyncadd.s32 $0xFFFFFE00  }
0x9f: {  	s31 =	sadd.s32 $0xFFFFFFFF, s31;
	_ =	swait.ge [sflag:s30], $0x200  }
.LBB2_2:
0xa0: {  	[sflag:s30] =	ssyncset.done $0x0  }
0xa1: {  	[sflag:s30] =	ssyncadd.s32 $0xFFFFFE00  }
0xa2: {  	_ =	sfence.sel $0x180000  }
0xa3: {  	[bflag:$0x0] =	sbarrier.arrive $0xFFFF  }
0xa4: {  	_ =	strace $0x90000047  }
0xa5: {  	[bflag:$0x2] =	sbarrier.arrive $0xFFFF  }
0xa6: {  	p0 =	sne.s32 s0, $0x0;
	s0 =	rddreg [dreg:$0x2]  }
0xa7: {  	s0 =	sadd.s32 @!p0 $0x100000, s0  }
0xa8: {  	[sflag:s0] =	ssyncadd.tile.s32 @!p0 $0x1;
	_ =	shalt  }
.Lfunc_end2:
_tile_overlayer_lowered:
.L_overlay_start_2:
0xa9: {  	(tag) =	ssettag $0x2  }
0xaa: {  	s0 =	rddreg [dreg:$0x0];
	s2 =	stileid.u32  }
0xab: {  	s1 =	rddreg [dreg:$0x1];
	p0 =	sne.s32 s2, $0x0  }
0xac: {  	s3 =	rddreg [dreg:$0x2];
	[bflag:$0x3] =	sbarrier.arrive $0xFFFF;
	s2 =	simm.s32 @!p0 $0x1C04  }
0xad: {  	[timem:s3], [sflag:s2] =	dma.local @!p0 [hbm:s0], s1  }
0xae: {  	s0 =	simm.s32 @!p0 $0x4  }
0xaf: {  	_ =	swait.ge @!p0 [sflag:s0], s1  }
0xb0: {  	s1 =	ssub.s32 @!p0 $0x0, s1;
	[sflag:s0] =	ssyncset.done @!p0 $0x0  }
0xb1: {  	[sflag:s0] =	ssyncadd.s32 @!p0 s1  }
0xb2: {  	[bflag:$0x3] =	sbarrier.arrive $0xFFFF  }
0xb3: {  	_ =	shalt  }

</sc_bundles>
